<compile_context>
chip_gen: v7x
topology: tpu7x:2x2x1
jax: 0.10.2.dev20260603
libtpu: 0.0.44.dev20260713+nightly
codegen_flags: <defaults>
</compile_context>

<pallas_src>
import functools

import jax
import jax.numpy as jnp
from jax import lax
from jax.experimental import pallas as pl
from jax.experimental.pallas import tpu as pltpu
from jax.experimental.pallas import tpu_sc as plsc


_R = 4096
_TAIL_CHUNKS = 4


def _gru_body(x_ref, h_ref, wih_ref, whh_ref, bih_ref, bhh_ref, out_ref):
    x = x_ref[...]
    hp = h_ref[...]
    gi = jnp.dot(x, wih_ref[...], preferred_element_type=jnp.float32)
    gi = gi + bih_ref[...]
    gh = jnp.dot(hp, whh_ref[...], preferred_element_type=jnp.float32)
    gh = gh + bhh_ref[...]
    h_dim = hp.shape[-1]
    r = jax.nn.sigmoid(gi[:, 0:h_dim] + gh[:, 0:h_dim])
    z = jax.nn.sigmoid(gi[:, h_dim:2 * h_dim] + gh[:, h_dim:2 * h_dim])
    n = jnp.tanh(gi[:, 2 * h_dim:] + r * gh[:, 2 * h_dim:])
    out_ref[...] = (1.0 - z) * n + z * hp


def kernel(h, X_obs, i_obs, W_ih, W_hh, b_ih, b_hh):
    del i_obs
    m, h_dim = h.shape
    b, in_dim = X_obs.shape
    nb = b // _R
    wih_t = W_ih.T
    whh_t = W_hh.T
    bih = b_ih.reshape(1, -1)
    bhh = b_hh.reshape(1, -1)

    g = pl.pallas_call(
        _gru_body,
        grid=(nb,),
        in_specs=[
            pl.BlockSpec((_R, in_dim), lambda i: (i, 0)),
            pl.BlockSpec((_R, h_dim), lambda i: (i, 0)),
            pl.BlockSpec(wih_t.shape, lambda i: (0, 0)),
            pl.BlockSpec(whh_t.shape, lambda i: (0, 0)),
            pl.BlockSpec(bih.shape, lambda i: (0, 0)),
            pl.BlockSpec(bhh.shape, lambda i: (0, 0)),
        ],
        out_specs=pl.BlockSpec((_R, h_dim), lambda i: (i, 0)),
        out_shape=jax.ShapeDtypeStruct((b, h_dim), h.dtype),
        compiler_params=pltpu.CompilerParams(
            dimension_semantics=("arbitrary",),
        ),
    )(X_obs, h, wih_t, whh_t, bih, bhh)

    info = plsc.get_sparse_core_info()
    nc, ns = info.num_cores, info.num_subcores
    nw = nc * ns
    total = m * h_dim
    head = b * h_dim
    tail = total - head
    head_per_w = head // nw
    tail_per_w = tail // nw
    chunk = tail_per_w // _TAIL_CHUNKS
    assert head_per_w % 8 == 0 and tail_per_w % 8 == 0 and chunk % 8 == 0
    assert head_per_w * nw == head and chunk * _TAIL_CHUNKS == tail_per_w
    assert chunk >= head_per_w

    mesh = plsc.VectorSubcoreMesh(core_axis_name="c", subcore_axis_name="s")

    @functools.partial(
        pl.kernel,
        mesh=mesh,
        out_type=jax.ShapeDtypeStruct((total,), h.dtype),
        scratch_types=[
            pltpu.VMEM((chunk,), jnp.float32),
            pltpu.SemaphoreType.DMA,
        ],
    )
    def _assemble(h_flat, g_flat, out_flat, buf, sem):
        wid = lax.axis_index("s") * nc + lax.axis_index("c")
        hbase = wid * head_per_w
        del sem
        pltpu.sync_copy(g_flat.at[pl.ds(hbase, head_per_w)],
                        buf.at[pl.ds(0, head_per_w)])
        pltpu.sync_copy(buf.at[pl.ds(0, head_per_w)],
                        out_flat.at[pl.ds(hbase, head_per_w)])
        tbase = head + wid * tail_per_w

        def _one(c, carry):
            start = tbase + c * chunk
            pltpu.sync_copy(h_flat.at[pl.ds(start, chunk)], buf)
            pltpu.sync_copy(buf, out_flat.at[pl.ds(start, chunk)])
            return carry

        lax.fori_loop(0, _TAIL_CHUNKS, _one, 0)

    out_flat = _assemble(h.reshape(total), g.reshape(head))
    return out_flat.reshape(m, h_dim)

# --- scband reference (transcript-rebuilt; emitter-appended) ---
"""Pipeline reference for scband-grucell-16174846837279 (READ-ONLY COPY).

The authoritative reference and input builder live on the scoring server;
editing this copy changes nothing except your own understanding.
"""

import jax, jax.numpy as jnp
import numpy as np

M = 100000
B = 16384
IN = 64
H = 64


def _gru_cell(x, hprev, W_ih, W_hh, b_ih, b_hh):
    gi = x @ W_ih.T + b_ih
    gh = hprev @ W_hh.T + b_hh
    i_r, i_z, i_n = jnp.split(gi, 3, axis=1)
    h_r, h_z, h_n = jnp.split(gh, 3, axis=1)
    r = jax.nn.sigmoid(i_r + h_r)
    z = jax.nn.sigmoid(i_z + h_z)
    n = jnp.tanh(i_n + r * h_n)
    return (1.0 - z) * n + z * hprev


def setup_inputs(seed: int = 0) -> dict:
    key = jax.random.key(seed)
    k1, k2, k3, k4, k5, k6 = jax.random.split(key, 6)
    h = jax.random.normal(k1, (M, H), dtype=jnp.float32)
    X_obs = jax.random.normal(k2, (B, IN), dtype=jnp.float32)
    i_obs = jnp.arange(B, dtype=jnp.int64) if jax.config.jax_enable_x64 else jnp.arange(B, dtype=jnp.int32)
    # GRUCell parameters (PyTorch layout: weight_ih [3H, IN], weight_hh [3H, H])
    bound = 1.0 / np.sqrt(H)
    W_ih = jax.random.uniform(k3, (3 * H, IN), minval=-bound, maxval=bound, dtype=jnp.float32)
    W_hh = jax.random.uniform(k4, (3 * H, H), minval=-bound, maxval=bound, dtype=jnp.float32)
    b_ih = jax.random.uniform(k5, (3 * H,), minval=-bound, maxval=bound, dtype=jnp.float32)
    b_hh = jax.random.uniform(k6, (3 * H,), minval=-bound, maxval=bound, dtype=jnp.float32)
    return {"h": h, "X_obs": X_obs, "i_obs": i_obs, "W_ih": W_ih, "W_hh": W_hh, "b_ih": b_ih, "b_hh": b_hh}


def reference(h, X_obs, i_obs, W_ih, W_hh, b_ih, b_hh):
    # temp = h.clone(); temp[i_obs] = gru_d(X_obs, h[i_obs]); return temp
    h_obs = jnp.take(h, i_obs, axis=0)
    h_new = _gru_cell(X_obs, h_obs, W_ih, W_hh, b_ih, b_hh)
    out = h.at[i_obs].set(h_new)
    return out

if __name__ == "__main__":
    import jax
    _d = setup_inputs()
    print(jax.jit(kernel)(*tuple(_d.values())))

</pallas_src>

<mosaic_0001>
#map = affine_map<(d0, d1) -> (0)>
module attributes {stable_mosaic.version = 14 : i64} {
  func.func @_assemble(%arg0: i32, %arg1: i32, %arg2: memref<6400000xf32, #tpu.memory_space<hbm>>, %arg3: memref<1048576xf32, #tpu.memory_space<hbm>>, %arg4: memref<6400000xf32, #tpu.memory_space<hbm>>, %arg5: memref<41808xf32, #tpu.memory_space<vmem>>, %arg6: memref<!tpu.dma_semaphore, #tpu.memory_space<semaphore_mem>>) attributes {dimension_semantics = [#tpu.dimension_semantics<core_parallel>, #tpu.dimension_semantics<subcore_parallel>], iteration_bounds = array<i64: 2, 16>, scalar_prefetch = 0 : i64, scratch_operands = 2 : i64, tpu.core_type = #tpu.core_type<sc_vector_subcore>, window_params = [{transform_indices = #map}, {transform_indices = #map}, {transform_indices = #map}]} {
    %mul3A = arith.constant 2 : i32
    %mul3A_0 = arith.muli %arg1, %mul3A : i32
    %add3A = arith.addi %mul3A_0, %arg0 : i32
    %mul3A_1 = arith.constant 32768 : i32
    %mul3A_2 = arith.muli %add3A, %mul3A_1 : i32
    "tpu.region"() ({
      %run_scoped3A = tpu.sem_alloc : memref<!tpu.dma_semaphore, #tpu.memory_space<semaphore_mem>>
      %dma_start3A = arith.constant 0 : i32
      %dma_start3A_12 = tpu.memref_slice %arg5[%dma_start3A] : memref<41808xf32, #tpu.memory_space<vmem>> -> memref<32768xf32, #tpu.memory_space<vmem>>
      %dma_start3A_13 = tpu.memref_slice %arg3[%mul3A_2] : memref<1048576xf32, #tpu.memory_space<hbm>> -> memref<32768xf32, #tpu.memory_space<hbm>>
      %dma_start3A_14 = arith.constant 0 : i32
      %dma_start3A_15 = tpu.memref_slice %arg5[%dma_start3A_14] : memref<41808xf32, #tpu.memory_space<vmem>> -> memref<32768xf32, #tpu.memory_space<vmem>>
      %dma_start3A_16 = tpu.memref_slice %arg3[%mul3A_2] : memref<1048576xf32, #tpu.memory_space<hbm>> -> memref<32768xf32, #tpu.memory_space<hbm>>
      tpu.enqueue_dma source(%dma_start3A_16 : memref<32768xf32, #tpu.memory_space<hbm>>) target(%dma_start3A_15 : memref<32768xf32, #tpu.memory_space<vmem>>) target_semaphore(%run_scoped3A : memref<!tpu.dma_semaphore, #tpu.memory_space<semaphore_mem>>)
      %dma_wait3A = arith.constant 0 : i32
      %dma_wait3A_17 = tpu.memref_slice %arg5[%dma_wait3A] : memref<41808xf32, #tpu.memory_space<vmem>> -> memref<32768xf32, #tpu.memory_space<vmem>>
      %dma_wait3A_18 = tpu.memref_slice %arg3[%mul3A_2] : memref<1048576xf32, #tpu.memory_space<hbm>> -> memref<32768xf32, #tpu.memory_space<hbm>>
      %dma_wait3A_19 = arith.constant 0 : i32
      %dma_wait3A_20 = tpu.memref_slice %arg5[%dma_wait3A_19] : memref<41808xf32, #tpu.memory_space<vmem>> -> memref<32768xf32, #tpu.memory_space<vmem>>
      %dma_wait3A_21 = tpu.memref_slice %arg3[%mul3A_2] : memref<1048576xf32, #tpu.memory_space<hbm>> -> memref<32768xf32, #tpu.memory_space<hbm>>
      tpu.wait_dma2 semaphore(%run_scoped3A : memref<!tpu.dma_semaphore, #tpu.memory_space<semaphore_mem>>) src(%dma_wait3A_21 : memref<32768xf32, #tpu.memory_space<hbm>>) dst(%dma_wait3A_20 : memref<32768xf32, #tpu.memory_space<vmem>>)
      tpu.yield
    }) : () -> ()
    "tpu.region"() ({
      %run_scoped3A = tpu.sem_alloc : memref<!tpu.dma_semaphore, #tpu.memory_space<semaphore_mem>>
      %dma_start3A = arith.constant 0 : i32
      %dma_start3A_12 = tpu.memref_slice %arg5[%dma_start3A] : memref<41808xf32, #tpu.memory_space<vmem>> -> memref<32768xf32, #tpu.memory_space<vmem>>
      %dma_start3A_13 = tpu.memref_slice %arg4[%mul3A_2] : memref<6400000xf32, #tpu.memory_space<hbm>> -> memref<32768xf32, #tpu.memory_space<hbm>>
      %dma_start3A_14 = tpu.memref_slice %arg4[%mul3A_2] : memref<6400000xf32, #tpu.memory_space<hbm>> -> memref<32768xf32, #tpu.memory_space<hbm>>
      %dma_start3A_15 = arith.constant 0 : i32
      %dma_start3A_16 = tpu.memref_slice %arg5[%dma_start3A_15] : memref<41808xf32, #tpu.memory_space<vmem>> -> memref<32768xf32, #tpu.memory_space<vmem>>
      tpu.enqueue_dma source(%dma_start3A_16 : memref<32768xf32, #tpu.memory_space<vmem>>) target(%dma_start3A_14 : memref<32768xf32, #tpu.memory_space<hbm>>) target_semaphore(%run_scoped3A : memref<!tpu.dma_semaphore, #tpu.memory_space<semaphore_mem>>)
      %dma_wait3A = arith.constant 0 : i32
      %dma_wait3A_17 = tpu.memref_slice %arg5[%dma_wait3A] : memref<41808xf32, #tpu.memory_space<vmem>> -> memref<32768xf32, #tpu.memory_space<vmem>>
      %dma_wait3A_18 = tpu.memref_slice %arg4[%mul3A_2] : memref<6400000xf32, #tpu.memory_space<hbm>> -> memref<32768xf32, #tpu.memory_space<hbm>>
      %dma_wait3A_19 = tpu.memref_slice %arg4[%mul3A_2] : memref<6400000xf32, #tpu.memory_space<hbm>> -> memref<32768xf32, #tpu.memory_space<hbm>>
      %dma_wait3A_20 = arith.constant 0 : i32
      %dma_wait3A_21 = tpu.memref_slice %arg5[%dma_wait3A_20] : memref<41808xf32, #tpu.memory_space<vmem>> -> memref<32768xf32, #tpu.memory_space<vmem>>
      tpu.wait_dma2 semaphore(%run_scoped3A : memref<!tpu.dma_semaphore, #tpu.memory_space<semaphore_mem>>) src(%dma_wait3A_21 : memref<32768xf32, #tpu.memory_space<vmem>>) dst(%dma_wait3A_19 : memref<32768xf32, #tpu.memory_space<hbm>>)
      tpu.yield
    }) : () -> ()
    %mul3A_3 = arith.constant 167232 : i32
    %mul3A_4 = arith.muli %add3A, %mul3A_3 : i32
    %add3A_5 = arith.constant 1048576 : i32
    %add3A_6 = arith.addi %add3A_5, %mul3A_4 : i32
    %scan3A = arith.constant 0 : i32
    %scan3A_7 = arith.constant 0 : i32
    %scan3A_8 = arith.constant 4 : i32
    %scan3A_9 = arith.addi %scan3A_7, %scan3A_8 : i32
    %scan3A_10 = arith.constant 1 : i32
    scf.for %scan3A_12 = %scan3A_7 to %scan3A_9 step %scan3A_10  : i32 {
      %mul3A_13 = arith.constant 41808 : i32
      %mul3A_14 = arith.muli %scan3A_12, %mul3A_13 : i32
      %add3A_15 = arith.addi %add3A_6, %mul3A_14 : i32
      "tpu.region"() ({
        %run_scoped3A = tpu.sem_alloc : memref<!tpu.dma_semaphore, #tpu.memory_space<semaphore_mem>>
        %dma_start3A = tpu.memref_slice %arg2[%add3A_15] : memref<6400000xf32, #tpu.memory_space<hbm>> -> memref<41808xf32, #tpu.memory_space<hbm>>
        %dma_start3A_16 = tpu.memref_slice %arg2[%add3A_15] : memref<6400000xf32, #tpu.memory_space<hbm>> -> memref<41808xf32, #tpu.memory_space<hbm>>
        tpu.enqueue_dma source(%dma_start3A_16 : memref<41808xf32, #tpu.memory_space<hbm>>) target(%arg5 : memref<41808xf32, #tpu.memory_space<vmem>>) target_semaphore(%run_scoped3A : memref<!tpu.dma_semaphore, #tpu.memory_space<semaphore_mem>>)
        %dma_wait3A = tpu.memref_slice %arg2[%add3A_15] : memref<6400000xf32, #tpu.memory_space<hbm>> -> memref<41808xf32, #tpu.memory_space<hbm>>
        %dma_wait3A_17 = tpu.memref_slice %arg2[%add3A_15] : memref<6400000xf32, #tpu.memory_space<hbm>> -> memref<41808xf32, #tpu.memory_space<hbm>>
        tpu.wait_dma2 semaphore(%run_scoped3A : memref<!tpu.dma_semaphore, #tpu.memory_space<semaphore_mem>>) src(%dma_wait3A_17 : memref<41808xf32, #tpu.memory_space<hbm>>) dst(%arg5 : memref<41808xf32, #tpu.memory_space<vmem>>)
        tpu.yield
      }) : () -> ()
      "tpu.region"() ({
        %run_scoped3A = tpu.sem_alloc : memref<!tpu.dma_semaphore, #tpu.memory_space<semaphore_mem>>
        %dma_start3A = tpu.memref_slice %arg4[%add3A_15] : memref<6400000xf32, #tpu.memory_space<hbm>> -> memref<41808xf32, #tpu.memory_space<hbm>>
        %dma_start3A_16 = tpu.memref_slice %arg4[%add3A_15] : memref<6400000xf32, #tpu.memory_space<hbm>> -> memref<41808xf32, #tpu.memory_space<hbm>>
        tpu.enqueue_dma source(%arg5 : memref<41808xf32, #tpu.memory_space<vmem>>) target(%dma_start3A_16 : memref<41808xf32, #tpu.memory_space<hbm>>) target_semaphore(%run_scoped3A : memref<!tpu.dma_semaphore, #tpu.memory_space<semaphore_mem>>)
        %dma_wait3A = tpu.memref_slice %arg4[%add3A_15] : memref<6400000xf32, #tpu.memory_space<hbm>> -> memref<41808xf32, #tpu.memory_space<hbm>>
        %dma_wait3A_17 = tpu.memref_slice %arg4[%add3A_15] : memref<6400000xf32, #tpu.memory_space<hbm>> -> memref<41808xf32, #tpu.memory_space<hbm>>
        tpu.wait_dma2 semaphore(%run_scoped3A : memref<!tpu.dma_semaphore, #tpu.memory_space<semaphore_mem>>) src(%arg5 : memref<41808xf32, #tpu.memory_space<vmem>>) dst(%dma_wait3A_17 : memref<41808xf32, #tpu.memory_space<hbm>>)
        tpu.yield
      }) : () -> ()
    }
    %scan3A_11 = arith.constant 4 : i32
    return
  }
}

module attributes {stable_mosaic.version = 14 : i64} {
  func.func @_gru_body(%arg0: i32, %arg1: memref<4096x64xf32, #tpu.memory_space<vmem>>, %arg2: memref<4096x64xf32, #tpu.memory_space<vmem>>, %arg3: memref<64x192xf32, #tpu.memory_space<vmem>>, %arg4: memref<64x192xf32, #tpu.memory_space<vmem>>, %arg5: memref<1x192xf32, #tpu.memory_space<vmem>>, %arg6: memref<1x192xf32, #tpu.memory_space<vmem>>, %arg7: memref<4096x64xf32, #tpu.memory_space<vmem>>) attributes {dimension_semantics = [#tpu.dimension_semantics<arbitrary>], iteration_bounds = array<i64: 4>, scalar_prefetch = 0 : i64, scratch_operands = 0 : i64, tpu.core_type = #tpu.core_type<tc>, window_params = [{transform_indices = @transform_0, window_bounds = array<i64: 4096, 64>}, {transform_indices = @transform_1, window_bounds = array<i64: 4096, 64>}, {pipeline_mode = #tpu.pipeline_mode<synchronous>, transform_indices = @transform_2, window_bounds = array<i64: 64, 192>}, {pipeline_mode = #tpu.pipeline_mode<synchronous>, transform_indices = @transform_3, window_bounds = array<i64: 64, 192>}, {pipeline_mode = #tpu.pipeline_mode<synchronous>, transform_indices = @transform_4, window_bounds = array<i64: 1, 192>}, {pipeline_mode = #tpu.pipeline_mode<synchronous>, transform_indices = @transform_5, window_bounds = array<i64: 1, 192>}, {transform_indices = @transform_6, window_bounds = array<i64: 4096, 64>}]} {
    %get3A = arith.constant 0 : index
    %get3A_0 = arith.constant 0 : index
    %get3A_1 = vector.load %arg1[%get3A, %get3A_0] : memref<4096x64xf32, #tpu.memory_space<vmem>>, vector<4096x64xf32>
    %get3A_2 = arith.constant 0 : index
    %get3A_3 = arith.constant 0 : index
    %get3A_4 = vector.load %arg2[%get3A_2, %get3A_3] : memref<4096x64xf32, #tpu.memory_space<vmem>>, vector<4096x64xf32>
    %get3A_5 = arith.constant 0 : index
    %get3A_6 = arith.constant 0 : index
    %get3A_7 = vector.load %arg3[%get3A_5, %get3A_6] : memref<64x192xf32, #tpu.memory_space<vmem>>, vector<64x192xf32>
    %dot_general3A = arith.constant dense<0.000000e+00> : vector<4096x192xf32>
    %dot_general3A_8 = tpu.matmul %get3A_1, %get3A_7, %dot_general3A {dimension_numbers = #tpu.dot_dimension_numbers<[1], [0], [0], [1], [0, 0, 1, 1], [], []>, transpose_lhs_hint = false} : vector<4096x64xf32>, vector<64x192xf32>, vector<4096x192xf32> -> vector<4096x192xf32>
    %get3A_9 = arith.constant 0 : index
    %get3A_10 = arith.constant 0 : index
    %get3A_11 = vector.load %arg5[%get3A_9, %get3A_10] : memref<1x192xf32, #tpu.memory_space<vmem>>, vector<1x192xf32>
    %add3A = vector.broadcast %get3A_11 : vector<1x192xf32> to vector<4096x192xf32>
    %add3A_12 = arith.addf %dot_general3A_8, %add3A : vector<4096x192xf32>
    %get3A_13 = arith.constant 0 : index
    %get3A_14 = arith.constant 0 : index
    %get3A_15 = vector.load %arg4[%get3A_13, %get3A_14] : memref<64x192xf32, #tpu.memory_space<vmem>>, vector<64x192xf32>
    %dot_general3A_16 = arith.constant dense<0.000000e+00> : vector<4096x192xf32>
    %dot_general3A_17 = tpu.matmul %get3A_4, %get3A_15, %dot_general3A_16 {dimension_numbers = #tpu.dot_dimension_numbers<[1], [0], [0], [1], [0, 0, 1, 1], [], []>, transpose_lhs_hint = false} : vector<4096x64xf32>, vector<64x192xf32>, vector<4096x192xf32> -> vector<4096x192xf32>
    %get3A_18 = arith.constant 0 : index
    %get3A_19 = arith.constant 0 : index
    %get3A_20 = vector.load %arg6[%get3A_18, %get3A_19] : memref<1x192xf32, #tpu.memory_space<vmem>>, vector<1x192xf32>
    %add3A_21 = vector.broadcast %get3A_20 : vector<1x192xf32> to vector<4096x192xf32>
    %add3A_22 = arith.addf %dot_general3A_17, %add3A_21 : vector<4096x192xf32>
    %slice3A = vector.extract_strided_slice %add3A_12 {offsets = [0, 0], sizes = [4096, 64], strides = [1, 1]} : vector<4096x192xf32> to vector<4096x64xf32>
    %slice3A_23 = vector.extract_strided_slice %add3A_22 {offsets = [0, 0], sizes = [4096, 64], strides = [1, 1]} : vector<4096x192xf32> to vector<4096x64xf32>
    %add3A_24 = arith.addf %slice3A, %slice3A_23 : vector<4096x64xf32>
    %logistic3A = arith.negf %add3A_24 : vector<4096x64xf32>
    %logistic3A_25 = math.exp %logistic3A : vector<4096x64xf32>
    %logistic3A_26 = arith.constant 1.000000e+00 : f32
    %logistic3A_27 = vector.broadcast %logistic3A_26 : f32 to vector<4096x64xf32>
    %logistic3A_28 = arith.addf %logistic3A_27, %logistic3A_25 : vector<4096x64xf32>
    %logistic3A_29 = arith.divf %logistic3A_27, %logistic3A_28 : vector<4096x64xf32>
    %slice3A_30 = vector.extract_strided_slice %add3A_12 {offsets = [0, 64], sizes = [4096, 64], strides = [1, 1]} : vector<4096x192xf32> to vector<4096x64xf32>
    %slice3A_31 = vector.extract_strided_slice %add3A_22 {offsets = [0, 64], sizes = [4096, 64], strides = [1, 1]} : vector<4096x192xf32> to vector<4096x64xf32>
    %add3A_32 = arith.addf %slice3A_30, %slice3A_31 : vector<4096x64xf32>
    %logistic3A_33 = arith.negf %add3A_32 : vector<4096x64xf32>
    %logistic3A_34 = math.exp %logistic3A_33 : vector<4096x64xf32>
    %logistic3A_35 = arith.constant 1.000000e+00 : f32
    %logistic3A_36 = vector.broadcast %logistic3A_35 : f32 to vector<4096x64xf32>
    %logistic3A_37 = arith.addf %logistic3A_36, %logistic3A_34 : vector<4096x64xf32>
    %logistic3A_38 = arith.divf %logistic3A_36, %logistic3A_37 : vector<4096x64xf32>
    %slice3A_39 = vector.extract_strided_slice %add3A_12 {offsets = [0, 128], sizes = [4096, 64], strides = [1, 1]} : vector<4096x192xf32> to vector<4096x64xf32>
    %slice3A_40 = vector.extract_strided_slice %add3A_22 {offsets = [0, 128], sizes = [4096, 64], strides = [1, 1]} : vector<4096x192xf32> to vector<4096x64xf32>
    %mul3A = arith.mulf %logistic3A_29, %slice3A_40 : vector<4096x64xf32>
    %add3A_41 = arith.addf %slice3A_39, %mul3A : vector<4096x64xf32>
    %tanh3A = math.tanh %add3A_41 : vector<4096x64xf32>
    %sub3A = arith.constant 1.000000e+00 : f32
    %sub3A_42 = vector.broadcast %sub3A : f32 to vector<4096x64xf32>
    %sub3A_43 = arith.subf %sub3A_42, %logistic3A_38 : vector<4096x64xf32>
    %mul3A_44 = arith.mulf %sub3A_43, %tanh3A : vector<4096x64xf32>
    %mul3A_45 = arith.mulf %logistic3A_38, %get3A_4 : vector<4096x64xf32>
    %add3A_46 = arith.addf %mul3A_44, %mul3A_45 : vector<4096x64xf32>
    %swap3A = arith.constant 0 : index
    %swap3A_47 = arith.constant 0 : index
    %swap3A_48 = vector.load %arg7[%swap3A, %swap3A_47] : memref<4096x64xf32, #tpu.memory_space<vmem>>, vector<4096x64xf32>
    tpu.vector_store %arg7[%swap3A, %swap3A_47], %add3A_46 {strides = array<i32>} : memref<4096x64xf32, #tpu.memory_space<vmem>>, vector<4096x64xf32>,
    return
  }
  func.func @transform_0(%arg0: i32) -> (i32, i32) {
    %c0_i32 = arith.constant 0 : i32
    %c0_i32_0 = arith.constant 0 : i32
    return %arg0, %c0_i32 : i32, i32
  }
  func.func @transform_1(%arg0: i32) -> (i32, i32) {
    %c0_i32 = arith.constant 0 : i32
    %c0_i32_0 = arith.constant 0 : i32
    return %arg0, %c0_i32 : i32, i32
  }
  func.func @transform_2(%arg0: i32) -> (i32, i32) {
    %c0_i32 = arith.constant 0 : i32
    %c0_i32_0 = arith.constant 0 : i32
    %c0_i32_1 = arith.constant 0 : i32
    return %c0_i32, %c0_i32_0 : i32, i32
  }
  func.func @transform_3(%arg0: i32) -> (i32, i32) {
    %c0_i32 = arith.constant 0 : i32
    %c0_i32_0 = arith.constant 0 : i32
    %c0_i32_1 = arith.constant 0 : i32
    return %c0_i32, %c0_i32_0 : i32, i32
  }
  func.func @transform_4(%arg0: i32) -> (i32, i32) {
    %c0_i32 = arith.constant 0 : i32
    %c0_i32_0 = arith.constant 0 : i32
    %c0_i32_1 = arith.constant 0 : i32
    return %c0_i32, %c0_i32_0 : i32, i32
  }
  func.func @transform_5(%arg0: i32) -> (i32, i32) {
    %c0_i32 = arith.constant 0 : i32
    %c0_i32_0 = arith.constant 0 : i32
    %c0_i32_1 = arith.constant 0 : i32
    return %c0_i32, %c0_i32_0 : i32, i32
  }
  func.func @transform_6(%arg0: i32) -> (i32, i32) {
    %c0_i32 = arith.constant 0 : i32
    %c0_i32_0 = arith.constant 0 : i32
    return %arg0, %c0_i32 : i32, i32
  }
}

</mosaic_0001>

<sc_bundles>
// kernel: kernel.4.cloned.1.call-start
scs
__scs_entry_jumppad:
0x0: {  	(pc) =	sbr.rel $0x88, $3  }
0x1: {  	(tag) =	ssettag $0x0;
	lr =	simm.s32 $0x1  }
0x2: {  	[smem:$0x3F9B] =	sst lr;
	_ =	strace $0xD0000000  }
0x3: {  	_ = 	snop  }
0x4: {  	_ = 	snop  }
0x5: {  	_ = 	snop  }
0x6: {  	_ = 	snop  }
0x7: {  	_ = 	snop  }
__scs_overlays_trampoline_lowered:
0x8: {  	[smem:$0x3FAA] =	sst s0  }
0x9: {  	[smem:$0x3FAB] =	sst s1  }
0xa: {  	[smem:$0x3FAC] =	sst s2  }
0xb: {  	[smem:$0x3FAD] =	sst s3  }
0xc: {  	[smem:$0x3FAE] =	sst s4  }
0xd: {  	[smem:$0x3FAF] =	sst s5  }
0xe: {  	[smem:$0x3FB0] =	sst s6  }
0xf: {  	[smem:$0x3FB1] =	sst s7  }
0x10: {  	[smem:$0x3FB2] =	sst s8  }
0x11: {  	[smem:$0x3FB3] =	sst s9;
	s0 =	simm.s32 @!p0 $0x0  }
0x12: {  	s1 =	sld [smem:$0x3F99];
	s0 =	simm.s32 @p0 $0x1  }
0x13: {  	[smem:$0x3FB4] =	sst s0;
	s0 =	simm.s32 @!p1 $0x0  }
0x14: {  	s2 =	sld [smem:$0x3F98];
	s0 =	simm.s32 @p1 $0x1  }
0x15: {  	[smem:$0x3FB5] =	sst s0;
	s0 =	simm.s32 @!p2 $0x0  }
0x16: {  	s3 =	sld [smem:$0x3FDB];
	s0 =	simm.s32 @p2 $0x1  }
0x17: {  	s4 =	simm.s32 $0x1BF5;
	[smem:$0x3FB7] =	sst s0  }
0x18: {  	s0 =	sld [smem:$0x3F9A];
	_ =	swait.ge [sflag:s4], $0x0  }
0x19: {  	s7 =	sld [smem:$0x3F9B]  }
0x1a: {  	s8 =	sadd.s32 $0xFFFFE003, lr  }
0x1b: {  	s9 =	sadd.s32 $0xFFFFFEF7, lr;
	s5 =	simm.s32 $0xFFFFFFFF;
	p2 =	slt.u32 s8, $0xFFFFF086  }
0x1c: {  	p1 =	slt.u32 s9, $0xF7A;
	s5 =	simm.s32 @!p2 $0x0  }
0x1d: {  	s5 =	simm.s32 @p1 $0x1;
	p0 =	seq.s32 s7, s2  }
0x1e: {  	s7 =	smul.u32 @!p0 $0xF7A, s2;
	p2 =	seq.s32 @!p0 s5, $0x0  }
0x1f: {  	s9 =	smul.u32 $0xF7A, s1;
	s8 =	simm.s32 @!p0 $0x1BF5;
	p2 =	por !p2, p0  }
0x20: {  	[sflag:s8] =	ssyncset.s32 @!p0 $0xFFFFF086;
	s6 =	sadd.s32 @!p0 s3, s7;
	s7 =	simm.s32 @!p0 $0x108  }
0x21: {  	s3 =	sadd.s32 s3, s9;
	s6 =	sadd.s32 @!p0 $0x88, s6;
	s7 =	simm.s32 @p2 $0x1082  }
0x22: {  	[simem:s7], [sflag:s8] =	dma.local @!p0 [hbm:s6], $0xF7A  }
0x23: {  	s9 =	sor.u32 $0xD0000000, s2;
	s6 =	simm.s32 $0x108;
	_ =	swait.ge @!p0 [sflag:s8], $0x0  }
0x24: {  	s3 =	sadd.s32 $0x88, s3;
	s6 =	simm.s32 @!p1 $0x1082;
	[sflag:s4] =	ssyncset.s32 $0xFFFFF086  }
0x25: {  	[simem:s6], [sflag:s4] =	dma.local [hbm:s3], $0xF7A  }
0x26: {  	[smem:$0x3F9B] =	sst s1;
	(tag) =	ssettag s2;
	_ =	strace s9  }
0x27: {  	s1 =	sld [smem:$0x3FAB]  }
0x28: {  	s2 =	sld [smem:$0x3FAC]  }
0x29: {  	s4 =	sld [smem:$0x3FAE]  }
0x2a: {  	p0 =	seq.s32 s5, $0x0;
	s5 =	sld [smem:$0x3FAF]  }
0x2b: {  	s6 =	sld [smem:$0x3FB0]  }
0x2c: {  	s7 =	sld [smem:$0x3FB1]  }
0x2d: {  	s3 =	simm.s32 $0x108;
	s8 =	sld [smem:$0x3FB2]  }
0x2e: {  	s3 =	simm.s32 @!p0 $0x1082;
	s9 =	sld [smem:$0x3FB3]  }
0x2f: {  	lr =	sadd.s32 s0, s3;
	s0 =	sld [smem:$0x3FAA]  }
0x30: {  	s3 =	sld [smem:$0x3FAD]  }
0x31: {  	[smem:$0x3FB6] =	sst s10  }
0x32: {  	s10 =	sld [smem:$0x3FB4];
	_ =	sdelay $0x3  }
0x33: {  	p0 =	seq.s32 s10, $0x1;
	s10 =	sld [smem:$0x3FB6];
	_ =	sdelay $0x3  }
0x34: {  	[smem:$0x3FB6] =	sst s10  }
0x35: {  	s10 =	sld [smem:$0x3FB5];
	_ =	sdelay $0x3  }
0x36: {  	p1 =	seq.s32 s10, $0x1;
	s10 =	sld [smem:$0x3FB6];
	_ =	sdelay $0x3  }
0x37: {  	[smem:$0x3FB6] =	sst s10  }
0x38: {  	s10 =	sld [smem:$0x3FB7]  }
0x39: {  	_ = 	snop;
	(pc) =	sbr.ind lr, $3  }
0x3a: {  	_ = 	snop  }
0x3b: {  	_ = 	snop  }
0x3c: {  	p2 =	seq.s32 s10, $0x1;
	s10 =	sld [smem:$0x3FB6]  }
0x3d: {  	_ =	shalt  }
0x3e: {  	_ =	shalt  }
0x3f: {  	_ =	shalt  }
0x40: {  	_ =	shalt  }
0x41: {  	_ =	shalt  }
0x42: {  	_ =	shalt  }
0x43: {  	_ =	shalt  }
0x44: {  	_ =	shalt  }
0x45: {  	_ =	shalt  }
0x46: {  	_ =	shalt  }
0x47: {  	_ =	shalt  }
0x48: {  	_ =	shalt  }
0x49: {  	_ =	shalt  }
0x4a: {  	_ =	shalt  }
0x4b: {  	_ =	shalt  }
0x4c: {  	_ =	shalt  }
0x4d: {  	_ =	shalt  }
0x4e: {  	_ =	shalt  }
0x4f: {  	_ =	shalt  }
0x50: {  	_ =	shalt  }
0x51: {  	_ =	shalt  }
0x52: {  	_ =	shalt  }
0x53: {  	_ =	shalt  }
0x54: {  	_ =	shalt  }
0x55: {  	_ =	shalt  }
0x56: {  	_ =	shalt  }
0x57: {  	_ =	shalt  }
0x58: {  	_ =	shalt  }
0x59: {  	_ =	shalt  }
0x5a: {  	_ =	shalt  }
0x5b: {  	_ =	shalt  }
0x5c: {  	_ =	shalt  }
0x5d: {  	_ =	shalt  }
0x5e: {  	_ =	shalt  }
0x5f: {  	_ =	shalt  }
0x60: {  	_ =	shalt  }
0x61: {  	_ =	shalt  }
0x62: {  	_ =	shalt  }
0x63: {  	_ =	shalt  }
0x64: {  	_ =	shalt  }
0x65: {  	_ =	shalt  }
0x66: {  	_ =	shalt  }
0x67: {  	_ =	shalt  }
0x68: {  	_ =	shalt  }
0x69: {  	_ =	shalt  }
0x6a: {  	_ =	shalt  }
0x6b: {  	_ =	shalt  }
0x6c: {  	_ =	shalt  }
0x6d: {  	_ =	shalt  }
0x6e: {  	_ =	shalt  }
0x6f: {  	_ =	shalt  }
0x70: {  	_ =	shalt  }
0x71: {  	_ =	shalt  }
0x72: {  	_ =	shalt  }
0x73: {  	_ =	shalt  }
0x74: {  	_ =	shalt  }
0x75: {  	_ =	shalt  }
0x76: {  	_ =	shalt  }
0x77: {  	_ =	shalt  }
0x78: {  	_ =	shalt  }
0x79: {  	_ =	shalt  }
0x7a: {  	_ =	shalt  }
0x7b: {  	_ =	shalt  }
0x7c: {  	_ =	shalt  }
0x7d: {  	_ =	shalt  }
0x7e: {  	_ =	shalt  }
0x7f: {  	_ =	shalt  }
0x80: {  	_ =	shalt  }
0x81: {  	_ =	shalt  }
0x82: {  	_ =	shalt  }
0x83: {  	_ =	shalt  }
0x84: {  	_ =	shalt  }
0x85: {  	_ =	shalt  }
0x86: {  	_ =	shalt  }
0x87: {  	_ =	shalt  }
.Lfunc_end0:
.L_simem_size_0:
called_computation_lowered:
.L_overlay_start_0:
0x88: {  	s2 =	sld [smem:$0x3FD9]  }
0x89: {  	s3 =	sld [smem:$0x3FFE];
	_ =	sdelay $0x1  }
0x8a: {  	s1 =	srdreg.scid  }
0x8b: {  	s0 =	sand.u32 $0x1, s1  }
0x8c: {  	s17 =	sshll.u32 s0, $0xA;
	s2 =	sadd.s32 s3, s2  }
0x8d: {  	s2 =	sadd.s32 s2, s17  }
0x8e: {  	[smem:$0x3FC2] =	sst s2  }
0x8f: {  	_ = 	snop  }
0x90: {  	s2 =	sld [smem:$0x3FD0];
	(tm) =	ssettm $0x1  }
0x91: {  	s18 =	sld [smem:$0x3FFB];
	_ =	sdelay $0x3  }
0x92: {  	_ =	strace s18  }
0x93: {  	s3 =	sld [smem:$0x3FFC];
	_ =	sdelay $0x3  }
0x94: {  	_ =	strace s3  }
0x95: {  	s3 =	sld [smem:$0x3FFD];
	_ =	sdelay $0x3  }
0x96: {  	_ =	strace s3  }
0x97: {  	_ =	strace $0x8FFFFFFF  }
0x98: {  	s19 =	sld [smem:$0x3FDB];
	_ =	sdelay $0x1  }
0x99: {  	s4 =	simm.s32 $_scs_section_size  }
0x9a: {  	s5 =	simm.s32 $_size__tile_overlayer_lowered;
	s6 =	simm.s32 $_tile_overlayer_lowered  }
0x9b: {  	s22 =	simm.s32 $0x1BFF;
	s21 =	sshll.u32 s6, $0x1;
	s3 =	sadd.s32 s4, s19  }
0x9c: {  	s7 =	simm.s32 $0x0;
	s20 =	sshll.u32 s5, $0x1;
	s5 =	sadd.s32 s21, s3  }
0x9d: {  	[timem:s7], [sflag:s22] =	dma.local [hbm:s5], s20  }
0x9e: {  	_ =	swait.ge [sflag:s22], s20  }
0x9f: {  	s4 =	ssub.s32 $0x0, s20;
	[sflag:s22] =	ssyncset.done $0x0  }
0xa0: {  	[sflag:s22] =	ssyncadd.s32 s4;
	_ =	sdelay $0x1  }
0xa1: {  	s23 =	simm.s32 $0x1B8B  }
0xa2: {  	_ =	swait.ge [sflag:s23], $0x1  }
0xa3: {  	[sflag:s23] =	ssyncset.done $0x0  }
0xa4: {  	s25 =	simm.s32 $0x1B8E;
	s24 =	sld [smem:$0x3FFE];
	[sflag:s23] =	ssyncadd.s32 $0xFFFFFFFF  }
0xa5: {  	s26 =	simm.s32 $execute0_lowered;
	[smem:$0x3FD2] =	sst s25  }
0xa6: {  	s5 =	sshll.u32 s26, $0x1;
	_ =	strace $0x80000046;
	[dreg:$0x1] =	wrdreg $0xFFFFFFFF  }
0xa7: {  	s28 =	simm.s32 $_size_execute0_lowered;
	s3 =	sadd.s32 s3, s5;
	[dreg:$0x0] =	wrdreg $0x0  }
0xa8: {  	s5 =	sshll.u32 s28, $0x1;
	[dreg:$0x2] =	wrdreg s3  }
0xa9: {  	[dreg:$0x3] =	wrdreg s5  }
0xaa: {  	[dreg:$0x4] =	wrdreg $0xC0  }
0xab: {  	_ =	task [dreg:s7], $0x5FFFF  }
0xac: {  	[dreg:$0x1] =	wrdreg $0xFFFFFFFF  }
0xad: {  	[dreg:$0x0] =	wrdreg $0x60  }
0xae: {  	[dreg:$0x2] =	wrdreg s2  }
0xaf: {  	[dreg:$0x3] =	wrdreg s24  }
0xb0: {  	[dreg:$0x4] =	wrdreg $0x9  }
0xb1: {  	_ =	task.clear_ibuf [dreg:s7], $0x5FFFF;
	_ =	strace $0x90000046  }
0xb2: {  	s29 =	simm.s32 $0x9;
	_ =	strace $0x80000048  }
0xb3: {  	_ =	swait.ge [sflag:s29], $0x1  }
0xb4: {  	[sflag:s29] =	ssyncadd.s32 $0xFFFFFFFF  }
0xb5: {  	_ =	strace $0x90000048  }
0xb6: {  	_ =	sfence  }
0xb7: {  	s30 =	sld [smem:$0x0];
	_ =	sdelay $0x2  }
0xb8: {  	s31 =	sshll.u32 s1, $0xD;
	s1 =	sshrl.u32 s1, $0x2  }
0xb9: {  	s3 =	sand.u32 $0x4000, s31;
	s1 =	sadd.s32 s1, s30  }
0xba: {  	s0 =	sor.u32 s3, s0;
	s1 =	sshll.u32 s1, $0x11  }
0xbb: {  	s0 =	sor.u32 s1, s0  }
0xbc: {  	s0 =	sadd.s32 $0x8F2B, s0  }
0xbd: {  	[sflag:s0] =	ssyncadd.remote.s32 $0x1  }
0xbe: {  	_ =	sfence.sel $0xFFFF  }
0xbf: {  	[dreg:$0x0] =	wrdreg $0xFFFFFFFF;
	(pc) =	sbr.abs _section_cstart, $3  }
0xc0: {  	[dreg:$0x1] =	wrdreg $0xFFFFFFFF  }
0xc1: {  	_ =	task.clear_ibuf [dreg:s7], $0x2FFFF;
	_ =	strace $0x9FFFFFFF  }
0xc2: {  	(tm) =	ssettm $0x7FFFFFFF  }
0xc3: {  	_ =	shalt  }
tec
execute0_lowered:
.L_overlay_start_1:
0x0: {  	(tag) =	ssettag $0x1  }
0x1: {  	s1 =	srdreg.scid;
	s0 =	stileid.u32  }
0x2: {  	s12 =	rddreg [dreg:$0x0];
	s13 =	sand.u32 $0x1, s1;
	s29 =	sshll.u32 s0, $0x1  }
0x3: {  	s5 =	rddreg [dreg:$0x1];
	s6 =	sor.u32 s13, s29  }
0x4: {  	s2 =	simm.s32 $0x0;
	s1 =	rddreg [dreg:$0x2];
	s7 =	sshll.u32 s6, $0xC  }
0x5: {  	[smem:$0x7FF] =	sst s2;
	s3 =	sadd.s32 s7, s5  }
0x6: {  	_ =	strace $0x80000047;
	s4 =	sadd.s32 $0xC00, s3;
	s3 =	simm.s32 $0x1  }
0x7: {  	[tilespmem:s2], [sflag:$0x1] =	stream.linear.gather [hbm4b:s4+s2], $0x8000, $0x38;
	[tilespmem:$0xA380] =	vst v63  }
0x8: {  	_ =	swait.ge [sflag:s3], $0x8000  }
0x9: {  	s14 =	sadd.s32 $0x20C00, s5;
	[sflag:s3] =	ssyncset.done $0x0  }
0xa: {  	s6 =	smul.u32 $0x28D40, s6;
	s5 =	sadd.s32 s14, s7;
	[sflag:s3] =	ssyncadd.s32 $0xFFFF8000  }
0xb: {  	[hbm4b:s5+s2] =	stream.linear.scatter [tilespmem:s2], [sflag:$0x1], $0x8000, $0x38;
	[tilespmem:$0xA380] =	vst v63  }
0xc: {  	s15 =	sshrl.u32 s6, $0x3;
	_ =	swait.ge [sflag:s3], $0x8000  }
0xd: {  	s30 =	sadd.s32 $0x20000, s15;
	[sflag:s3] =	ssyncset.done $0x0  }
0xe: {  	s6 =	sadd.s32 s12, s30;
	[sflag:s3] =	ssyncadd.s32 $0xFFFF8000  }
0xf: {  	[tilespmem:s2], [sflag:$0x1] =	stream.linear.gather [hbm4b:s6+s2], $0xA350, $0x38;
	[tilespmem:$0xA380] =	vst v63  }
0x10: {  	_ =	swait.ge [sflag:s3], $0xA350  }
0x11: {  	[sflag:s3] =	ssyncset.done $0x0  }
0x12: {  	s7 =	sadd.s32 s14, s30;
	[sflag:s3] =	ssyncadd.s32 $0xFFFF5CB0  }
0x13: {  	[hbm4b:s7+s2] =	stream.linear.scatter [tilespmem:s2], [sflag:$0x1], $0xA350, $0x38;
	[tilespmem:$0xA380] =	vst v63  }
0x14: {  	_ =	swait.ge [sflag:s3], $0xA350  }
0x15: {  	s9 =	sadd.s32 $0x2146A, s15;
	[sflag:s3] =	ssyncset.done $0x0  }
0x16: {  	s8 =	sadd.s32 s12, s9;
	[sflag:s3] =	ssyncadd.s32 $0xFFFF5CB0  }
0x17: {  	[tilespmem:s2], [sflag:$0x1] =	stream.linear.gather [hbm4b:s8+s2], $0xA350, $0x38;
	[tilespmem:$0xA380] =	vst v63  }
0x18: {  	_ =	swait.ge [sflag:s3], $0xA350  }
0x19: {  	[sflag:s3] =	ssyncset.done $0x0  }
0x1a: {  	s9 =	sadd.s32 s14, s9;
	[sflag:s3] =	ssyncadd.s32 $0xFFFF5CB0  }
0x1b: {  	[hbm4b:s9+s2] =	stream.linear.scatter [tilespmem:s2], [sflag:$0x1], $0xA350, $0x38;
	[tilespmem:$0xA380] =	vst v63  }
0x1c: {  	_ =	swait.ge [sflag:s3], $0xA350  }
0x1d: {  	s11 =	sadd.s32 $0x228D4, s15;
	[sflag:s3] =	ssyncset.done $0x0  }
0x1e: {  	s10 =	sadd.s32 s12, s11;
	[sflag:s3] =	ssyncadd.s32 $0xFFFF5CB0  }
0x1f: {  	[tilespmem:s2], [sflag:$0x1] =	stream.linear.gather [hbm4b:s10+s2], $0xA350, $0x38;
	[tilespmem:$0xA380] =	vst v63  }
0x20: {  	_ =	swait.ge [sflag:s3], $0xA350  }
0x21: {  	[sflag:s3] =	ssyncset.done $0x0  }
0x22: {  	s13 =	ssub.s32 $0x2, s13;
	s11 =	sadd.s32 s14, s11;
	[sflag:s3] =	ssyncadd.s32 $0xFFFF5CB0  }
0x23: {  	[hbm4b:s11+s2] =	stream.linear.scatter [tilespmem:s2], [sflag:$0x1], $0xA350, $0x38;
	[tilespmem:$0xA380] =	vst v63  }
0x24: {  	s16 =	sshrl.u32 s13, $0x1;
	_ =	swait.ge [sflag:s3], $0xA350  }
0x25: {  	s16 =	ssub.s32 s13, s16;
	s15 =	sadd.s32 $0x23D3E, s15;
	[sflag:s3] =	ssyncset.done $0x0  }
0x26: {  	s31 =	smax.u32 s16, $0x1;
	s12 =	sadd.s32 s12, s15;
	[sflag:s3] =	ssyncadd.s32 $0xFFFF5CB0  }
0x27: {  	[tilespmem:s2], [sflag:$0x1] =	stream.linear.gather [hbm4b:s12+s2], $0xA350, $0x38;
	[tilespmem:$0xA380] =	vst v63  }
0x28: {  	p0 =	sne.s32 s31, $0x1;
	_ =	swait.ge [sflag:s3], $0xA350  }
.Ltmp0:
0x29: {  	[sflag:s3] =	ssyncset.done $0x0;
	(pc) =	sbr.rel @!p0 .LBB2_2-.Ltmp0, $4  }
0x2a: {  	s13 =	sadd.s32 s14, s15;
	[sflag:s3] =	ssyncadd.s32 $0xFFFF5CB0  }
0x2b: {  	[hbm4b:s13+s2] =	stream.linear.scatter [tilespmem:s2], [sflag:$0x1], $0xA350, $0x38;
	[tilespmem:$0xA380] =	vst v63  }
0x2c: {  	_ =	swait.ge [sflag:s3], $0xA350  }
0x2d: {  	s14 =	sadd.s32 $0xFFFFFFFF, s31;
	[sflag:s3] =	ssyncset.done $0x0  }
.LBB2_1:
0x2e: {  	p0 =	sne.s32 s14, $0x1;
	s14 =	sadd.s32 $0xFFFFFFFF, s14;
	[sflag:s3] =	ssyncadd.s32 $0xFFFF5CB0  }
0x2f: {  	[tilespmem:s2], [sflag:$0x1] =	stream.linear.gather [hbm4b:s4+s2], $0x8000, $0x38;
	[tilespmem:$0xA380] =	vst v63  }
0x30: {  	_ =	swait.ge [sflag:s3], $0x8000  }
0x31: {  	[sflag:s3] =	ssyncset.done $0x0  }
0x32: {  	[sflag:s3] =	ssyncadd.s32 $0xFFFF8000  }
0x33: {  	[hbm4b:s5+s2] =	stream.linear.scatter [tilespmem:s2], [sflag:$0x1], $0x8000, $0x38;
	[tilespmem:$0xA380] =	vst v63  }
0x34: {  	_ =	swait.ge [sflag:s3], $0x8000  }
0x35: {  	[sflag:s3] =	ssyncset.done $0x0  }
0x36: {  	[sflag:s3] =	ssyncadd.s32 $0xFFFF8000  }
0x37: {  	[tilespmem:s2], [sflag:$0x1] =	stream.linear.gather [hbm4b:s6+s2], $0xA350, $0x38;
	[tilespmem:$0xA380] =	vst v63  }
0x38: {  	_ =	swait.ge [sflag:s3], $0xA350  }
0x39: {  	[sflag:s3] =	ssyncset.done $0x0  }
0x3a: {  	[sflag:s3] =	ssyncadd.s32 $0xFFFF5CB0  }
0x3b: {  	[hbm4b:s7+s2] =	stream.linear.scatter [tilespmem:s2], [sflag:$0x1], $0xA350, $0x38;
	[tilespmem:$0xA380] =	vst v63  }
0x3c: {  	_ =	swait.ge [sflag:s3], $0xA350  }
0x3d: {  	[sflag:s3] =	ssyncset.done $0x0  }
0x3e: {  	[sflag:s3] =	ssyncadd.s32 $0xFFFF5CB0  }
0x3f: {  	[tilespmem:s2], [sflag:$0x1] =	stream.linear.gather [hbm4b:s8+s2], $0xA350, $0x38;
	[tilespmem:$0xA380] =	vst v63  }
0x40: {  	_ =	swait.ge [sflag:s3], $0xA350  }
0x41: {  	[sflag:s3] =	ssyncset.done $0x0  }
0x42: {  	[sflag:s3] =	ssyncadd.s32 $0xFFFF5CB0  }
0x43: {  	[hbm4b:s9+s2] =	stream.linear.scatter [tilespmem:s2], [sflag:$0x1], $0xA350, $0x38;
	[tilespmem:$0xA380] =	vst v63  }
0x44: {  	_ =	swait.ge [sflag:s3], $0xA350  }
0x45: {  	[sflag:s3] =	ssyncset.done $0x0  }
0x46: {  	[sflag:s3] =	ssyncadd.s32 $0xFFFF5CB0  }
0x47: {  	[tilespmem:s2], [sflag:$0x1] =	stream.linear.gather [hbm4b:s10+s2], $0xA350, $0x38;
	[tilespmem:$0xA380] =	vst v63  }
0x48: {  	_ =	swait.ge [sflag:s3], $0xA350  }
0x49: {  	[sflag:s3] =	ssyncset.done $0x0  }
0x4a: {  	[sflag:s3] =	ssyncadd.s32 $0xFFFF5CB0  }
0x4b: {  	[hbm4b:s11+s2] =	stream.linear.scatter [tilespmem:s2], [sflag:$0x1], $0xA350, $0x38;
	[tilespmem:$0xA380] =	vst v63  }
0x4c: {  	_ =	swait.ge [sflag:s3], $0xA350  }
0x4d: {  	[sflag:s3] =	ssyncset.done $0x0  }
0x4e: {  	[sflag:s3] =	ssyncadd.s32 $0xFFFF5CB0  }
0x4f: {  	[tilespmem:s2], [sflag:$0x1] =	stream.linear.gather [hbm4b:s12+s2], $0xA350, $0x38;
	[tilespmem:$0xA380] =	vst v63  }
0x50: {  	_ =	swait.ge [sflag:s3], $0xA350  }
.Ltmp1:
0x51: {  	[sflag:s3] =	ssyncset.done $0x0;
	(pc) =	sbr.rel @p0 .LBB2_1-.Ltmp1, $4  }
0x52: {  	[sflag:s3] =	ssyncadd.s32 $0xFFFF5CB0  }
0x53: {  	[hbm4b:s13+s2] =	stream.linear.scatter [tilespmem:s2], [sflag:$0x1], $0xA350, $0x38;
	[tilespmem:$0xA380] =	vst v63  }
0x54: {  	_ =	swait.ge [sflag:s3], $0xA350  }
0x55: {  	[sflag:s3] =	ssyncset.done $0x0  }
.LBB2_2:
0x56: {  	[sflag:s3] =	ssyncadd.s32 $0xFFFF5CB0  }
0x57: {  	_ =	sfence.sel $0x180000  }
0x58: {  	[bflag:$0x0] =	sbarrier.arrive $0xFFFF  }
0x59: {  	p0 =	sne.s32 s0, $0x0;
	_ =	strace $0x90000047  }
0x5a: {  	s0 =	sadd.s32 @!p0 $0x100000, s1;
	[bflag:$0x2] =	sbarrier.arrive $0xFFFF  }
0x5b: {  	[sflag:s0] =	ssyncadd.tile.s32 @!p0 $0x1;
	_ =	shalt  }
.Lfunc_end2:
_tile_overlayer_lowered:
.L_overlay_start_2:
0x5c: {  	(tag) =	ssettag $0x2  }
0x5d: {  	s0 =	rddreg [dreg:$0x0];
	s2 =	stileid.u32  }
0x5e: {  	s1 =	rddreg [dreg:$0x1];
	p0 =	sne.s32 s2, $0x0  }
0x5f: {  	s3 =	rddreg [dreg:$0x2];
	[bflag:$0x3] =	sbarrier.arrive $0xFFFF;
	s2 =	simm.s32 @!p0 $0x1C01  }
0x60: {  	[timem:s3], [sflag:s2] =	dma.local @!p0 [hbm:s0], s1  }
0x61: {  	s0 =	simm.s32 @!p0 $0x1  }
0x62: {  	_ =	swait.ge @!p0 [sflag:s0], s1  }
0x63: {  	s1 =	ssub.s32 @!p0 $0x0, s1;
	[sflag:s0] =	ssyncset.done @!p0 $0x0  }
0x64: {  	[sflag:s0] =	ssyncadd.s32 @!p0 s1  }
0x65: {  	[bflag:$0x3] =	sbarrier.arrive $0xFFFF  }
0x66: {  	_ =	shalt  }

</sc_bundles>
